<compile_context>
chip_gen: v7x
topology: tpu7x:2x2x1
jax: 0.10.2.dev20260603
libtpu: 0.0.44.dev20260713+nightly
codegen_flags: <defaults>
</compile_context>

<pallas_src>
import functools

import jax
import jax.numpy as jnp
from jax import lax
from jax.experimental import pallas as pl
from jax.experimental.pallas import tpu as pltpu
from jax.experimental.pallas import tpu_sc as plsc


def _build_sc_band(q_len, k_len, input_dim, output_dim, dtype, band_cols):
    info = plsc.get_sparse_core_info()
    nc, ns, nl = info.num_cores, info.num_subcores, info.num_lanes
    nw = nc * ns
    assert band_cols % nw == 0 and output_dim == 2 * nl
    t_per_w = band_cols // nw
    max_index = (input_dim - 1) // 2
    s0 = (q_len - 1) + max_index
    emb_words = input_dim * output_dim
    seg_words = t_per_w * output_dim
    mesh = plsc.VectorSubcoreMesh(core_axis_name="c", subcore_axis_name="s")

    @functools.partial(
        pl.kernel,
        mesh=mesh,
        out_type=jax.ShapeDtypeStruct((band_cols * output_dim,), dtype),
        scratch_types=[
            pltpu.VMEM((emb_words,), dtype),
            pltpu.VMEM((seg_words,), dtype),
        ],
    )
    def sc_kernel(emb_hbm, band_hbm, emb_ref, seg_ref):
        wid = lax.axis_index("s") * nc + lax.axis_index("c")
        t0 = wid * t_per_w
        pltpu.sync_copy(emb_hbm, emb_ref)

        def build(t, _):
            e = jnp.clip(s0 - (t0 + t), 0, 2 * max_index) * output_dim
            b = t * output_dim
            seg_ref[pl.ds(b, nl)] = emb_ref[pl.ds(e, nl)]
            seg_ref[pl.ds(b + nl, nl)] = emb_ref[pl.ds(e + nl, nl)]
            return _

        lax.fori_loop(0, t_per_w, build, 0)
        pltpu.sync_copy(seg_ref, band_hbm.at[pl.ds(wid * seg_words, seg_words)])

    return sc_kernel


def _build_tc_slide(q_len, k_len, output_dim, dtype, band_cols, planes_per_blk):
    grid = q_len // planes_per_blk

    def body(band_ref, out_ref):
        p = pl.program_id(0)
        band = band_ref[...]
        i_last = p * planes_per_blk + (planes_per_blk - 1)
        t_last = (q_len - 1) - i_last
        shift = lax.rem(band_cols - t_last, band_cols)
        rolled = pltpu.roll(band, shift, axis=1)
        for r in range(planes_per_blk):
            off = planes_per_blk - 1 - r
            out_ref[r] = rolled[:, off:off + k_len]

    return pl.pallas_call(
        body,
        grid=(grid,),
        in_specs=[pl.BlockSpec((output_dim, band_cols), lambda p: (0, 0))],
        out_specs=pl.BlockSpec(
            (planes_per_blk, output_dim, k_len), lambda p: (p, 0, 0)
        ),
        out_shape=jax.ShapeDtypeStruct((q_len, output_dim, k_len), dtype),
    )


def kernel(q, k, embeddings):
    q_len = q.shape[1]
    k_len = k.shape[1]
    input_dim, output_dim = embeddings.shape
    band_cols = ((q_len + k_len - 1 + 127) // 128) * 128
    dtype = embeddings.dtype
    band_flat = _build_sc_band(
        q_len, k_len, input_dim, output_dim, dtype, band_cols
    )(embeddings.reshape(-1))
    band = band_flat.reshape(band_cols, output_dim).T
    out_t = _build_tc_slide(q_len, k_len, output_dim, dtype, band_cols, 32)(band)
    return out_t.transpose(0, 2, 1)

# --- scband reference (transcript-rebuilt; emitter-appended) ---
"""Pipeline reference for scband-relative-position-embedding-28673201668249 (READ-ONLY COPY).

The authoritative reference and input builder live on the scoring server;
editing this copy changes nothing except your own understanding.
"""

import jax, jax.numpy as jnp
import numpy as np

INPUT_DIM = 511
OUTPUT_DIM = 32


def setup_inputs(seed: int = 0) -> dict:
    key = jax.random.key(seed)
    k1, k2, k3 = jax.random.split(key, 3)
    q = jax.random.normal(k1, (2, 2048, 1024), dtype=jnp.float32)
    k = jax.random.normal(k2, (2, 2048, 1024), dtype=jnp.float32)
    embeddings = jax.random.normal(k3, (INPUT_DIM, OUTPUT_DIM), dtype=jnp.float32) * 0.02
    return {"q": q, "k": k, "embeddings": embeddings}


def reference(q, k, embeddings):
    q_len = q.shape[1]
    k_len = k.shape[1]
    q_indices = jnp.arange(0, q_len, dtype=jnp.int32)[:, None]
    k_indices = jnp.arange(0, k_len, dtype=jnp.int32)[None, :]
    relative = q_indices - k_indices
    max_index = (INPUT_DIM - 1) // 2
    relative = jnp.clip(relative, -max_index, max_index)
    relative = relative + max_index
    return jnp.take(embeddings, relative, axis=0)

if __name__ == "__main__":
    import jax
    _d = setup_inputs()
    print(jax.jit(kernel)(*tuple(_d.values())))

</pallas_src>

<mosaic_0001>
#map = affine_map<(d0, d1) -> (0)>
module attributes {stable_mosaic.version = 14 : i64} {
  func.func @sc_kernel(%arg0: i32, %arg1: i32, %arg2: memref<16352xf32, #tpu.memory_space<hbm>>, %arg3: memref<131072xf32, #tpu.memory_space<hbm>>, %arg4: memref<16352xf32, #tpu.memory_space<vmem>>, %arg5: memref<4096xf32, #tpu.memory_space<vmem>>) attributes {dimension_semantics = [#tpu.dimension_semantics<core_parallel>, #tpu.dimension_semantics<subcore_parallel>], iteration_bounds = array<i64: 2, 16>, scalar_prefetch = 0 : i64, scratch_operands = 2 : i64, tpu.core_type = #tpu.core_type<sc_vector_subcore>, window_params = [{transform_indices = #map}, {transform_indices = #map}]} {
    %mul3A = arith.constant 2 : i32
    %mul3A_0 = arith.muli %arg1, %mul3A : i32
    %add3A = arith.addi %mul3A_0, %arg0 : i32
    %mul3A_1 = arith.constant 128 : i32
    %mul3A_2 = arith.muli %add3A, %mul3A_1 : i32
    "tpu.region"() ({
      %run_scoped3A = tpu.sem_alloc : memref<!tpu.dma_semaphore, #tpu.memory_space<semaphore_mem>>
      tpu.enqueue_dma source(%arg2 : memref<16352xf32, #tpu.memory_space<hbm>>) target(%arg4 : memref<16352xf32, #tpu.memory_space<vmem>>) target_semaphore(%run_scoped3A : memref<!tpu.dma_semaphore, #tpu.memory_space<semaphore_mem>>)
      tpu.wait_dma2 semaphore(%run_scoped3A : memref<!tpu.dma_semaphore, #tpu.memory_space<semaphore_mem>>) src(%arg2 : memref<16352xf32, #tpu.memory_space<hbm>>) dst(%arg4 : memref<16352xf32, #tpu.memory_space<vmem>>)
      tpu.yield
    }) : () -> ()
    %scan3A = arith.constant 0 : i32
    %scan3A_3 = arith.constant 0 : i32
    %scan3A_4 = arith.constant 128 : i32
    %scan3A_5 = arith.addi %scan3A_3, %scan3A_4 : i32
    %scan3A_6 = arith.constant 1 : i32
    scf.for %scan3A_10 = %scan3A_3 to %scan3A_5 step %scan3A_6  : i32 {
      %add3A_11 = arith.addi %mul3A_2, %scan3A_10 : i32
      %sub3A = arith.constant 2302 : i32
      %sub3A_12 = arith.subi %sub3A, %add3A_11 : i32
      %jit3A = arith.constant 0 : i32
      %jit3A_13 = arith.constant 510 : i32
      %max3A = arith.maxsi %jit3A, %sub3A_12 : i32
      %min3A = arith.minsi %jit3A_13, %max3A : i32
      %mul3A_14 = arith.constant 32 : i32
      %mul3A_15 = arith.muli %min3A, %mul3A_14 : i32
      %mul3A_16 = arith.constant 32 : i32
      %mul3A_17 = arith.muli %scan3A_10, %mul3A_16 : i32
      %get3A = arith.index_cast %mul3A_15 : i32 to index
      %get3A_18 = tpu.vector_load %arg4[%get3A] {strides = array<i32>} : memref<16352xf32, #tpu.memory_space<vmem>>, vector<16xf32>,
      %get3A_19 = vector.shape_cast %get3A_18 : vector<16xf32> to vector<16xf32>
      %swap3A = arith.index_cast %mul3A_17 : i32 to index
      %swap3A_20 = tpu.vector_load %arg5[%swap3A] {strides = array<i32>} : memref<4096xf32, #tpu.memory_space<vmem>>, vector<16xf32>,
      %swap3A_21 = vector.shape_cast %swap3A_20 : vector<16xf32> to vector<16xf32>
      %swap3A_22 = vector.shape_cast %get3A_19 : vector<16xf32> to vector<16xf32>
      tpu.vector_store %arg5[%swap3A], %swap3A_22 {strides = array<i32>} : memref<4096xf32, #tpu.memory_space<vmem>>, vector<16xf32>,
      %add3A_23 = arith.constant 16 : i32
      %add3A_24 = arith.addi %mul3A_15, %add3A_23 : i32
      %get3A_25 = arith.index_cast %add3A_24 : i32 to index
      %get3A_26 = tpu.vector_load %arg4[%get3A_25] {strides = array<i32>} : memref<16352xf32, #tpu.memory_space<vmem>>, vector<16xf32>,
      %get3A_27 = vector.shape_cast %get3A_26 : vector<16xf32> to vector<16xf32>
      %add3A_28 = arith.constant 16 : i32
      %add3A_29 = arith.addi %mul3A_17, %add3A_28 : i32
      %swap3A_30 = arith.index_cast %add3A_29 : i32 to index
      %swap3A_31 = tpu.vector_load %arg5[%swap3A_30] {strides = array<i32>} : memref<4096xf32, #tpu.memory_space<vmem>>, vector<16xf32>,
      %swap3A_32 = vector.shape_cast %swap3A_31 : vector<16xf32> to vector<16xf32>
      %swap3A_33 = vector.shape_cast %get3A_27 : vector<16xf32> to vector<16xf32>
      tpu.vector_store %arg5[%swap3A_30], %swap3A_33 {strides = array<i32>} : memref<4096xf32, #tpu.memory_space<vmem>>, vector<16xf32>,
    }
    %scan3A_7 = arith.constant 128 : i32
    %mul3A_8 = arith.constant 4096 : i32
    %mul3A_9 = arith.muli %add3A, %mul3A_8 : i32
    "tpu.region"() ({
      %run_scoped3A = tpu.sem_alloc : memref<!tpu.dma_semaphore, #tpu.memory_space<semaphore_mem>>
      %dma_start3A = tpu.memref_slice %arg3[%mul3A_9] : memref<131072xf32, #tpu.memory_space<hbm>> -> memref<4096xf32, #tpu.memory_space<hbm>>
      %dma_start3A_10 = tpu.memref_slice %arg3[%mul3A_9] : memref<131072xf32, #tpu.memory_space<hbm>> -> memref<4096xf32, #tpu.memory_space<hbm>>
      tpu.enqueue_dma source(%arg5 : memref<4096xf32, #tpu.memory_space<vmem>>) target(%dma_start3A_10 : memref<4096xf32, #tpu.memory_space<hbm>>) target_semaphore(%run_scoped3A : memref<!tpu.dma_semaphore, #tpu.memory_space<semaphore_mem>>)
      %dma_wait3A = tpu.memref_slice %arg3[%mul3A_9] : memref<131072xf32, #tpu.memory_space<hbm>> -> memref<4096xf32, #tpu.memory_space<hbm>>
      %dma_wait3A_11 = tpu.memref_slice %arg3[%mul3A_9] : memref<131072xf32, #tpu.memory_space<hbm>> -> memref<4096xf32, #tpu.memory_space<hbm>>
      tpu.wait_dma2 semaphore(%run_scoped3A : memref<!tpu.dma_semaphore, #tpu.memory_space<semaphore_mem>>) src(%arg5 : memref<4096xf32, #tpu.memory_space<vmem>>) dst(%dma_wait3A_11 : memref<4096xf32, #tpu.memory_space<hbm>>)
      tpu.yield
    }) : () -> ()
    return
  }
}

module attributes {stable_mosaic.version = 14 : i64} {
  func.func @body(%arg0: i32, %arg1: memref<32x4096xf32, #tpu.memory_space<vmem>>, %arg2: memref<32x32x2048xf32, #tpu.memory_space<vmem>>) attributes {dimension_semantics = [#tpu.dimension_semantics<arbitrary>], iteration_bounds = array<i64: 64>, scalar_prefetch = 0 : i64, scratch_operands = 0 : i64, tpu.core_type = #tpu.core_type<tc>, window_params = [{pipeline_mode = #tpu.pipeline_mode<synchronous>, transform_indices = @transform_0, window_bounds = array<i64: 32, 4096>}, {transform_indices = @transform_1, window_bounds = array<i64: 32, 32, 2048>}]} {
    %get3A = arith.constant 0 : index
    %get3A_0 = arith.constant 0 : index
    %get3A_1 = vector.load %arg1[%get3A, %get3A_0] : memref<32x4096xf32, #tpu.memory_space<vmem>>, vector<32x4096xf32>
    %mul3A = arith.constant 32 : i32
    %mul3A_2 = arith.muli %arg0, %mul3A : i32
    %add3A = arith.constant 31 : i32
    %add3A_3 = arith.addi %mul3A_2, %add3A : i32
    %sub3A = arith.constant 2047 : i32
    %sub3A_4 = arith.subi %sub3A, %add3A_3 : i32
    %sub3A_5 = arith.constant 4096 : i32
    %sub3A_6 = arith.subi %sub3A_5, %sub3A_4 : i32
    %rem3A = arith.constant 4096 : i32
    %rem3A_7 = arith.remsi %sub3A_6, %rem3A : i32
    %roll3A = tpu.dynamic_rotate %get3A_1 by %rem3A_7 dim 1 : vector<32x4096xf32>, i32 -> vector<32x4096xf32>
    %slice3A = vector.extract_strided_slice %roll3A {offsets = [0, 31], sizes = [32, 2048], strides = [1, 1]} : vector<32x4096xf32> to vector<32x2048xf32>
    %swap3A = arith.constant 0 : index
    %swap3A_8 = arith.constant 0 : index
    %swap3A_9 = arith.constant 0 : index
    %swap3A_10 = vector.load %arg2[%swap3A, %swap3A_8, %swap3A_9] : memref<32x32x2048xf32, #tpu.memory_space<vmem>>, vector<1x32x2048xf32>
    %swap3A_11 = vector.shape_cast %swap3A_10 : vector<1x32x2048xf32> to vector<32x2048xf32>
    %swap3A_12 = vector.shape_cast %slice3A : vector<32x2048xf32> to vector<1x32x2048xf32>
    tpu.vector_store %arg2[%swap3A, %swap3A_8, %swap3A_9], %swap3A_12 {strides = array<i32>} : memref<32x32x2048xf32, #tpu.memory_space<vmem>>, vector<1x32x2048xf32>,
    %slice3A_13 = vector.extract_strided_slice %roll3A {offsets = [0, 30], sizes = [32, 2048], strides = [1, 1]} : vector<32x4096xf32> to vector<32x2048xf32>
    %swap3A_14 = arith.constant 1 : index
    %swap3A_15 = arith.constant 0 : index
    %swap3A_16 = arith.constant 0 : index
    %swap3A_17 = vector.load %arg2[%swap3A_14, %swap3A_15, %swap3A_16] : memref<32x32x2048xf32, #tpu.memory_space<vmem>>, vector<1x32x2048xf32>
    %swap3A_18 = vector.shape_cast %swap3A_17 : vector<1x32x2048xf32> to vector<32x2048xf32>
    %swap3A_19 = vector.shape_cast %slice3A_13 : vector<32x2048xf32> to vector<1x32x2048xf32>
    tpu.vector_store %arg2[%swap3A_14, %swap3A_15, %swap3A_16], %swap3A_19 {strides = array<i32>} : memref<32x32x2048xf32, #tpu.memory_space<vmem>>, vector<1x32x2048xf32>,
    %slice3A_20 = vector.extract_strided_slice %roll3A {offsets = [0, 29], sizes = [32, 2048], strides = [1, 1]} : vector<32x4096xf32> to vector<32x2048xf32>
    %swap3A_21 = arith.constant 2 : index
    %swap3A_22 = arith.constant 0 : index
    %swap3A_23 = arith.constant 0 : index
    %swap3A_24 = vector.load %arg2[%swap3A_21, %swap3A_22, %swap3A_23] : memref<32x32x2048xf32, #tpu.memory_space<vmem>>, vector<1x32x2048xf32>
    %swap3A_25 = vector.shape_cast %swap3A_24 : vector<1x32x2048xf32> to vector<32x2048xf32>
    %swap3A_26 = vector.shape_cast %slice3A_20 : vector<32x2048xf32> to vector<1x32x2048xf32>
    tpu.vector_store %arg2[%swap3A_21, %swap3A_22, %swap3A_23], %swap3A_26 {strides = array<i32>} : memref<32x32x2048xf32, #tpu.memory_space<vmem>>, vector<1x32x2048xf32>,
    %slice3A_27 = vector.extract_strided_slice %roll3A {offsets = [0, 28], sizes = [32, 2048], strides = [1, 1]} : vector<32x4096xf32> to vector<32x2048xf32>
    %swap3A_28 = arith.constant 3 : index
    %swap3A_29 = arith.constant 0 : index
    %swap3A_30 = arith.constant 0 : index
    %swap3A_31 = vector.load %arg2[%swap3A_28, %swap3A_29, %swap3A_30] : memref<32x32x2048xf32, #tpu.memory_space<vmem>>, vector<1x32x2048xf32>
    %swap3A_32 = vector.shape_cast %swap3A_31 : vector<1x32x2048xf32> to vector<32x2048xf32>
    %swap3A_33 = vector.shape_cast %slice3A_27 : vector<32x2048xf32> to vector<1x32x2048xf32>
    tpu.vector_store %arg2[%swap3A_28, %swap3A_29, %swap3A_30], %swap3A_33 {strides = array<i32>} : memref<32x32x2048xf32, #tpu.memory_space<vmem>>, vector<1x32x2048xf32>,
    %slice3A_34 = vector.extract_strided_slice %roll3A {offsets = [0, 27], sizes = [32, 2048], strides = [1, 1]} : vector<32x4096xf32> to vector<32x2048xf32>
    %swap3A_35 = arith.constant 4 : index
    %swap3A_36 = arith.constant 0 : index
    %swap3A_37 = arith.constant 0 : index
    %swap3A_38 = vector.load %arg2[%swap3A_35, %swap3A_36, %swap3A_37] : memref<32x32x2048xf32, #tpu.memory_space<vmem>>, vector<1x32x2048xf32>
    %swap3A_39 = vector.shape_cast %swap3A_38 : vector<1x32x2048xf32> to vector<32x2048xf32>
    %swap3A_40 = vector.shape_cast %slice3A_34 : vector<32x2048xf32> to vector<1x32x2048xf32>
    tpu.vector_store %arg2[%swap3A_35, %swap3A_36, %swap3A_37], %swap3A_40 {strides = array<i32>} : memref<32x32x2048xf32, #tpu.memory_space<vmem>>, vector<1x32x2048xf32>,
    %slice3A_41 = vector.extract_strided_slice %roll3A {offsets = [0, 26], sizes = [32, 2048], strides = [1, 1]} : vector<32x4096xf32> to vector<32x2048xf32>
    %swap3A_42 = arith.constant 5 : index
    %swap3A_43 = arith.constant 0 : index
    %swap3A_44 = arith.constant 0 : index
    %swap3A_45 = vector.load %arg2[%swap3A_42, %swap3A_43, %swap3A_44] : memref<32x32x2048xf32, #tpu.memory_space<vmem>>, vector<1x32x2048xf32>
    %swap3A_46 = vector.shape_cast %swap3A_45 : vector<1x32x2048xf32> to vector<32x2048xf32>
    %swap3A_47 = vector.shape_cast %slice3A_41 : vector<32x2048xf32> to vector<1x32x2048xf32>
    tpu.vector_store %arg2[%swap3A_42, %swap3A_43, %swap3A_44], %swap3A_47 {strides = array<i32>} : memref<32x32x2048xf32, #tpu.memory_space<vmem>>, vector<1x32x2048xf32>,
    %slice3A_48 = vector.extract_strided_slice %roll3A {offsets = [0, 25], sizes = [32, 2048], strides = [1, 1]} : vector<32x4096xf32> to vector<32x2048xf32>
    %swap3A_49 = arith.constant 6 : index
    %swap3A_50 = arith.constant 0 : index
    %swap3A_51 = arith.constant 0 : index
    %swap3A_52 = vector.load %arg2[%swap3A_49, %swap3A_50, %swap3A_51] : memref<32x32x2048xf32, #tpu.memory_space<vmem>>, vector<1x32x2048xf32>
    %swap3A_53 = vector.shape_cast %swap3A_52 : vector<1x32x2048xf32> to vector<32x2048xf32>
    %swap3A_54 = vector.shape_cast %slice3A_48 : vector<32x2048xf32> to vector<1x32x2048xf32>
    tpu.vector_store %arg2[%swap3A_49, %swap3A_50, %swap3A_51], %swap3A_54 {strides = array<i32>} : memref<32x32x2048xf32, #tpu.memory_space<vmem>>, vector<1x32x2048xf32>,
    %slice3A_55 = vector.extract_strided_slice %roll3A {offsets = [0, 24], sizes = [32, 2048], strides = [1, 1]} : vector<32x4096xf32> to vector<32x2048xf32>
    %swap3A_56 = arith.constant 7 : index
    %swap3A_57 = arith.constant 0 : index
    %swap3A_58 = arith.constant 0 : index
    %swap3A_59 = vector.load %arg2[%swap3A_56, %swap3A_57, %swap3A_58] : memref<32x32x2048xf32, #tpu.memory_space<vmem>>, vector<1x32x2048xf32>
    %swap3A_60 = vector.shape_cast %swap3A_59 : vector<1x32x2048xf32> to vector<32x2048xf32>
    %swap3A_61 = vector.shape_cast %slice3A_55 : vector<32x2048xf32> to vector<1x32x2048xf32>
    tpu.vector_store %arg2[%swap3A_56, %swap3A_57, %swap3A_58], %swap3A_61 {strides = array<i32>} : memref<32x32x2048xf32, #tpu.memory_space<vmem>>, vector<1x32x2048xf32>,
    %slice3A_62 = vector.extract_strided_slice %roll3A {offsets = [0, 23], sizes = [32, 2048], strides = [1, 1]} : vector<32x4096xf32> to vector<32x2048xf32>
    %swap3A_63 = arith.constant 8 : index
    %swap3A_64 = arith.constant 0 : index
    %swap3A_65 = arith.constant 0 : index
    %swap3A_66 = vector.load %arg2[%swap3A_63, %swap3A_64, %swap3A_65] : memref<32x32x2048xf32, #tpu.memory_space<vmem>>, vector<1x32x2048xf32>
    %swap3A_67 = vector.shape_cast %swap3A_66 : vector<1x32x2048xf32> to vector<32x2048xf32>
    %swap3A_68 = vector.shape_cast %slice3A_62 : vector<32x2048xf32> to vector<1x32x2048xf32>
    tpu.vector_store %arg2[%swap3A_63, %swap3A_64, %swap3A_65], %swap3A_68 {strides = array<i32>} : memref<32x32x2048xf32, #tpu.memory_space<vmem>>, vector<1x32x2048xf32>,
    %slice3A_69 = vector.extract_strided_slice %roll3A {offsets = [0, 22], sizes = [32, 2048], strides = [1, 1]} : vector<32x4096xf32> to vector<32x2048xf32>
    %swap3A_70 = arith.constant 9 : index
    %swap3A_71 = arith.constant 0 : index
    %swap3A_72 = arith.constant 0 : index
    %swap3A_73 = vector.load %arg2[%swap3A_70, %swap3A_71, %swap3A_72] : memref<32x32x2048xf32, #tpu.memory_space<vmem>>, vector<1x32x2048xf32>
    %swap3A_74 = vector.shape_cast %swap3A_73 : vector<1x32x2048xf32> to vector<32x2048xf32>
    %swap3A_75 = vector.shape_cast %slice3A_69 : vector<32x2048xf32> to vector<1x32x2048xf32>
    tpu.vector_store %arg2[%swap3A_70, %swap3A_71, %swap3A_72], %swap3A_75 {strides = array<i32>} : memref<32x32x2048xf32, #tpu.memory_space<vmem>>, vector<1x32x2048xf32>,
    %slice3A_76 = vector.extract_strided_slice %roll3A {offsets = [0, 21], sizes = [32, 2048], strides = [1, 1]} : vector<32x4096xf32> to vector<32x2048xf32>
    %swap3A_77 = arith.constant 10 : index
    %swap3A_78 = arith.constant 0 : index
    %swap3A_79 = arith.constant 0 : index
    %swap3A_80 = vector.load %arg2[%swap3A_77, %swap3A_78, %swap3A_79] : memref<32x32x2048xf32, #tpu.memory_space<vmem>>, vector<1x32x2048xf32>
    %swap3A_81 = vector.shape_cast %swap3A_80 : vector<1x32x2048xf32> to vector<32x2048xf32>
    %swap3A_82 = vector.shape_cast %slice3A_76 : vector<32x2048xf32> to vector<1x32x2048xf32>
    tpu.vector_store %arg2[%swap3A_77, %swap3A_78, %swap3A_79], %swap3A_82 {strides = array<i32>} : memref<32x32x2048xf32, #tpu.memory_space<vmem>>, vector<1x32x2048xf32>,
    %slice3A_83 = vector.extract_strided_slice %roll3A {offsets = [0, 20], sizes = [32, 2048], strides = [1, 1]} : vector<32x4096xf32> to vector<32x2048xf32>
    %swap3A_84 = arith.constant 11 : index
    %swap3A_85 = arith.constant 0 : index
    %swap3A_86 = arith.constant 0 : index
    %swap3A_87 = vector.load %arg2[%swap3A_84, %swap3A_85, %swap3A_86] : memref<32x32x2048xf32, #tpu.memory_space<vmem>>, vector<1x32x2048xf32>
    %swap3A_88 = vector.shape_cast %swap3A_87 : vector<1x32x2048xf32> to vector<32x2048xf32>
    %swap3A_89 = vector.shape_cast %slice3A_83 : vector<32x2048xf32> to vector<1x32x2048xf32>
    tpu.vector_store %arg2[%swap3A_84, %swap3A_85, %swap3A_86], %swap3A_89 {strides = array<i32>} : memref<32x32x2048xf32, #tpu.memory_space<vmem>>, vector<1x32x2048xf32>,
    %slice3A_90 = vector.extract_strided_slice %roll3A {offsets = [0, 19], sizes = [32, 2048], strides = [1, 1]} : vector<32x4096xf32> to vector<32x2048xf32>
    %swap3A_91 = arith.constant 12 : index
    %swap3A_92 = arith.constant 0 : index
    %swap3A_93 = arith.constant 0 : index
    %swap3A_94 = vector.load %arg2[%swap3A_91, %swap3A_92, %swap3A_93] : memref<32x32x2048xf32, #tpu.memory_space<vmem>>, vector<1x32x2048xf32>
    %swap3A_95 = vector.shape_cast %swap3A_94 : vector<1x32x2048xf32> to vector<32x2048xf32>
    %swap3A_96 = vector.shape_cast %slice3A_90 : vector<32x2048xf32> to vector<1x32x2048xf32>
    tpu.vector_store %arg2[%swap3A_91, %swap3A_92, %swap3A_93], %swap3A_96 {strides = array<i32>} : memref<32x32x2048xf32, #tpu.memory_space<vmem>>, vector<1x32x2048xf32>,
    %slice3A_97 = vector.extract_strided_slice %roll3A {offsets = [0, 18], sizes = [32, 2048], strides = [1, 1]} : vector<32x4096xf32> to vector<32x2048xf32>
    %swap3A_98 = arith.constant 13 : index
    %swap3A_99 = arith.constant 0 : index
    %swap3A_100 = arith.constant 0 : index
    %swap3A_101 = vector.load %arg2[%swap3A_98, %swap3A_99, %swap3A_100] : memref<32x32x2048xf32, #tpu.memory_space<vmem>>, vector<1x32x2048xf32>
    %swap3A_102 = vector.shape_cast %swap3A_101 : vector<1x32x2048xf32> to vector<32x2048xf32>
    %swap3A_103 = vector.shape_cast %slice3A_97 : vector<32x2048xf32> to vector<1x32x2048xf32>
    tpu.vector_store %arg2[%swap3A_98, %swap3A_99, %swap3A_100], %swap3A_103 {strides = array<i32>} : memref<32x32x2048xf32, #tpu.memory_space<vmem>>, vector<1x32x2048xf32>,
    %slice3A_104 = vector.extract_strided_slice %roll3A {offsets = [0, 17], sizes = [32, 2048], strides = [1, 1]} : vector<32x4096xf32> to vector<32x2048xf32>
    %swap3A_105 = arith.constant 14 : index
    %swap3A_106 = arith.constant 0 : index
    %swap3A_107 = arith.constant 0 : index
    %swap3A_108 = vector.load %arg2[%swap3A_105, %swap3A_106, %swap3A_107] : memref<32x32x2048xf32, #tpu.memory_space<vmem>>, vector<1x32x2048xf32>
    %swap3A_109 = vector.shape_cast %swap3A_108 : vector<1x32x2048xf32> to vector<32x2048xf32>
    %swap3A_110 = vector.shape_cast %slice3A_104 : vector<32x2048xf32> to vector<1x32x2048xf32>
    tpu.vector_store %arg2[%swap3A_105, %swap3A_106, %swap3A_107], %swap3A_110 {strides = array<i32>} : memref<32x32x2048xf32, #tpu.memory_space<vmem>>, vector<1x32x2048xf32>,
    %slice3A_111 = vector.extract_strided_slice %roll3A {offsets = [0, 16], sizes = [32, 2048], strides = [1, 1]} : vector<32x4096xf32> to vector<32x2048xf32>
    %swap3A_112 = arith.constant 15 : index
    %swap3A_113 = arith.constant 0 : index
    %swap3A_114 = arith.constant 0 : index
    %swap3A_115 = vector.load %arg2[%swap3A_112, %swap3A_113, %swap3A_114] : memref<32x32x2048xf32, #tpu.memory_space<vmem>>, vector<1x32x2048xf32>
    %swap3A_116 = vector.shape_cast %swap3A_115 : vector<1x32x2048xf32> to vector<32x2048xf32>
    %swap3A_117 = vector.shape_cast %slice3A_111 : vector<32x2048xf32> to vector<1x32x2048xf32>
    tpu.vector_store %arg2[%swap3A_112, %swap3A_113, %swap3A_114], %swap3A_117 {strides = array<i32>} : memref<32x32x2048xf32, #tpu.memory_space<vmem>>, vector<1x32x2048xf32>,
    %slice3A_118 = vector.extract_strided_slice %roll3A {offsets = [0, 15], sizes = [32, 2048], strides = [1, 1]} : vector<32x4096xf32> to vector<32x2048xf32>
    %swap3A_119 = arith.constant 16 : index
    %swap3A_120 = arith.constant 0 : index
    %swap3A_121 = arith.constant 0 : index
    %swap3A_122 = vector.load %arg2[%swap3A_119, %swap3A_120, %swap3A_121] : memref<32x32x2048xf32, #tpu.memory_space<vmem>>, vector<1x32x2048xf32>
    %swap3A_123 = vector.shape_cast %swap3A_122 : vector<1x32x2048xf32> to vector<32x2048xf32>
    %swap3A_124 = vector.shape_cast %slice3A_118 : vector<32x2048xf32> to vector<1x32x2048xf32>
    tpu.vector_store %arg2[%swap3A_119, %swap3A_120, %swap3A_121], %swap3A_124 {strides = array<i32>} : memref<32x32x2048xf32, #tpu.memory_space<vmem>>, vector<1x32x2048xf32>,
    %slice3A_125 = vector.extract_strided_slice %roll3A {offsets = [0, 14], sizes = [32, 2048], strides = [1, 1]} : vector<32x4096xf32> to vector<32x2048xf32>
    %swap3A_126 = arith.constant 17 : index
    %swap3A_127 = arith.constant 0 : index
    %swap3A_128 = arith.constant 0 : index
    %swap3A_129 = vector.load %arg2[%swap3A_126, %swap3A_127, %swap3A_128] : memref<32x32x2048xf32, #tpu.memory_space<vmem>>, vector<1x32x2048xf32>
    %swap3A_130 = vector.shape_cast %swap3A_129 : vector<1x32x2048xf32> to vector<32x2048xf32>
    %swap3A_131 = vector.shape_cast %slice3A_125 : vector<32x2048xf32> to vector<1x32x2048xf32>
    tpu.vector_store %arg2[%swap3A_126, %swap3A_127, %swap3A_128], %swap3A_131 {strides = array<i32>} : memref<32x32x2048xf32, #tpu.memory_space<vmem>>, vector<1x32x2048xf32>,
    %slice3A_132 = vector.extract_strided_slice %roll3A {offsets = [0, 13], sizes = [32, 2048], strides = [1, 1]} : vector<32x4096xf32> to vector<32x2048xf32>
    %swap3A_133 = arith.constant 18 : index
    %swap3A_134 = arith.constant 0 : index
    %swap3A_135 = arith.constant 0 : index
    %swap3A_136 = vector.load %arg2[%swap3A_133, %swap3A_134, %swap3A_135] : memref<32x32x2048xf32, #tpu.memory_space<vmem>>, vector<1x32x2048xf32>
    %swap3A_137 = vector.shape_cast %swap3A_136 : vector<1x32x2048xf32> to vector<32x2048xf32>
    %swap3A_138 = vector.shape_cast %slice3A_132 : vector<32x2048xf32> to vector<1x32x2048xf32>
    tpu.vector_store %arg2[%swap3A_133, %swap3A_134, %swap3A_135], %swap3A_138 {strides = array<i32>} : memref<32x32x2048xf32, #tpu.memory_space<vmem>>, vector<1x32x2048xf32>,
    %slice3A_139 = vector.extract_strided_slice %roll3A {offsets = [0, 12], sizes = [32, 2048], strides = [1, 1]} : vector<32x4096xf32> to vector<32x2048xf32>
    %swap3A_140 = arith.constant 19 : index
    %swap3A_141 = arith.constant 0 : index
    %swap3A_142 = arith.constant 0 : index
    %swap3A_143 = vector.load %arg2[%swap3A_140, %swap3A_141, %swap3A_142] : memref<32x32x2048xf32, #tpu.memory_space<vmem>>, vector<1x32x2048xf32>
    %swap3A_144 = vector.shape_cast %swap3A_143 : vector<1x32x2048xf32> to vector<32x2048xf32>
    %swap3A_145 = vector.shape_cast %slice3A_139 : vector<32x2048xf32> to vector<1x32x2048xf32>
    tpu.vector_store %arg2[%swap3A_140, %swap3A_141, %swap3A_142], %swap3A_145 {strides = array<i32>} : memref<32x32x2048xf32, #tpu.memory_space<vmem>>, vector<1x32x2048xf32>,
    %slice3A_146 = vector.extract_strided_slice %roll3A {offsets = [0, 11], sizes = [32, 2048], strides = [1, 1]} : vector<32x4096xf32> to vector<32x2048xf32>
    %swap3A_147 = arith.constant 20 : index
    %swap3A_148 = arith.constant 0 : index
    %swap3A_149 = arith.constant 0 : index
    %swap3A_150 = vector.load %arg2[%swap3A_147, %swap3A_148, %swap3A_149] : memref<32x32x2048xf32, #tpu.memory_space<vmem>>, vector<1x32x2048xf32>
    %swap3A_151 = vector.shape_cast %swap3A_150 : vector<1x32x2048xf32> to vector<32x2048xf32>
    %swap3A_152 = vector.shape_cast %slice3A_146 : vector<32x2048xf32> to vector<1x32x2048xf32>
    tpu.vector_store %arg2[%swap3A_147, %swap3A_148, %swap3A_149], %swap3A_152 {strides = array<i32>} : memref<32x32x2048xf32, #tpu.memory_space<vmem>>, vector<1x32x2048xf32>,
    %slice3A_153 = vector.extract_strided_slice %roll3A {offsets = [0, 10], sizes = [32, 2048], strides = [1, 1]} : vector<32x4096xf32> to vector<32x2048xf32>
    %swap3A_154 = arith.constant 21 : index
    %swap3A_155 = arith.constant 0 : index
    %swap3A_156 = arith.constant 0 : index
    %swap3A_157 = vector.load %arg2[%swap3A_154, %swap3A_155, %swap3A_156] : memref<32x32x2048xf32, #tpu.memory_space<vmem>>, vector<1x32x2048xf32>
    %swap3A_158 = vector.shape_cast %swap3A_157 : vector<1x32x2048xf32> to vector<32x2048xf32>
    %swap3A_159 = vector.shape_cast %slice3A_153 : vector<32x2048xf32> to vector<1x32x2048xf32>
    tpu.vector_store %arg2[%swap3A_154, %swap3A_155, %swap3A_156], %swap3A_159 {strides = array<i32>} : memref<32x32x2048xf32, #tpu.memory_space<vmem>>, vector<1x32x2048xf32>,
    %slice3A_160 = vector.extract_strided_slice %roll3A {offsets = [0, 9], sizes = [32, 2048], strides = [1, 1]} : vector<32x4096xf32> to vector<32x2048xf32>
    %swap3A_161 = arith.constant 22 : index
    %swap3A_162 = arith.constant 0 : index
    %swap3A_163 = arith.constant 0 : index
    %swap3A_164 = vector.load %arg2[%swap3A_161, %swap3A_162, %swap3A_163] : memref<32x32x2048xf32, #tpu.memory_space<vmem>>, vector<1x32x2048xf32>
    %swap3A_165 = vector.shape_cast %swap3A_164 : vector<1x32x2048xf32> to vector<32x2048xf32>
    %swap3A_166 = vector.shape_cast %slice3A_160 : vector<32x2048xf32> to vector<1x32x2048xf32>
    tpu.vector_store %arg2[%swap3A_161, %swap3A_162, %swap3A_163], %swap3A_166 {strides = array<i32>} : memref<32x32x2048xf32, #tpu.memory_space<vmem>>, vector<1x32x2048xf32>,
    %slice3A_167 = vector.extract_strided_slice %roll3A {offsets = [0, 8], sizes = [32, 2048], strides = [1, 1]} : vector<32x4096xf32> to vector<32x2048xf32>
    %swap3A_168 = arith.constant 23 : index
    %swap3A_169 = arith.constant 0 : index
    %swap3A_170 = arith.constant 0 : index
    %swap3A_171 = vector.load %arg2[%swap3A_168, %swap3A_169, %swap3A_170] : memref<32x32x2048xf32, #tpu.memory_space<vmem>>, vector<1x32x2048xf32>
    %swap3A_172 = vector.shape_cast %swap3A_171 : vector<1x32x2048xf32> to vector<32x2048xf32>
    %swap3A_173 = vector.shape_cast %slice3A_167 : vector<32x2048xf32> to vector<1x32x2048xf32>
    tpu.vector_store %arg2[%swap3A_168, %swap3A_169, %swap3A_170], %swap3A_173 {strides = array<i32>} : memref<32x32x2048xf32, #tpu.memory_space<vmem>>, vector<1x32x2048xf32>,
    %slice3A_174 = vector.extract_strided_slice %roll3A {offsets = [0, 7], sizes = [32, 2048], strides = [1, 1]} : vector<32x4096xf32> to vector<32x2048xf32>
    %swap3A_175 = arith.constant 24 : index
    %swap3A_176 = arith.constant 0 : index
    %swap3A_177 = arith.constant 0 : index
    %swap3A_178 = vector.load %arg2[%swap3A_175, %swap3A_176, %swap3A_177] : memref<32x32x2048xf32, #tpu.memory_space<vmem>>, vector<1x32x2048xf32>
    %swap3A_179 = vector.shape_cast %swap3A_178 : vector<1x32x2048xf32> to vector<32x2048xf32>
    %swap3A_180 = vector.shape_cast %slice3A_174 : vector<32x2048xf32> to vector<1x32x2048xf32>
    tpu.vector_store %arg2[%swap3A_175, %swap3A_176, %swap3A_177], %swap3A_180 {strides = array<i32>} : memref<32x32x2048xf32, #tpu.memory_space<vmem>>, vector<1x32x2048xf32>,
    %slice3A_181 = vector.extract_strided_slice %roll3A {offsets = [0, 6], sizes = [32, 2048], strides = [1, 1]} : vector<32x4096xf32> to vector<32x2048xf32>
    %swap3A_182 = arith.constant 25 : index
    %swap3A_183 = arith.constant 0 : index
    %swap3A_184 = arith.constant 0 : index
    %swap3A_185 = vector.load %arg2[%swap3A_182, %swap3A_183, %swap3A_184] : memref<32x32x2048xf32, #tpu.memory_space<vmem>>, vector<1x32x2048xf32>
    %swap3A_186 = vector.shape_cast %swap3A_185 : vector<1x32x2048xf32> to vector<32x2048xf32>
    %swap3A_187 = vector.shape_cast %slice3A_181 : vector<32x2048xf32> to vector<1x32x2048xf32>
    tpu.vector_store %arg2[%swap3A_182, %swap3A_183, %swap3A_184], %swap3A_187 {strides = array<i32>} : memref<32x32x2048xf32, #tpu.memory_space<vmem>>, vector<1x32x2048xf32>,
    %slice3A_188 = vector.extract_strided_slice %roll3A {offsets = [0, 5], sizes = [32, 2048], strides = [1, 1]} : vector<32x4096xf32> to vector<32x2048xf32>
    %swap3A_189 = arith.constant 26 : index
    %swap3A_190 = arith.constant 0 : index
    %swap3A_191 = arith.constant 0 : index
    %swap3A_192 = vector.load %arg2[%swap3A_189, %swap3A_190, %swap3A_191] : memref<32x32x2048xf32, #tpu.memory_space<vmem>>, vector<1x32x2048xf32>
    %swap3A_193 = vector.shape_cast %swap3A_192 : vector<1x32x2048xf32> to vector<32x2048xf32>
    %swap3A_194 = vector.shape_cast %slice3A_188 : vector<32x2048xf32> to vector<1x32x2048xf32>
    tpu.vector_store %arg2[%swap3A_189, %swap3A_190, %swap3A_191], %swap3A_194 {strides = array<i32>} : memref<32x32x2048xf32, #tpu.memory_space<vmem>>, vector<1x32x2048xf32>,
    %slice3A_195 = vector.extract_strided_slice %roll3A {offsets = [0, 4], sizes = [32, 2048], strides = [1, 1]} : vector<32x4096xf32> to vector<32x2048xf32>
    %swap3A_196 = arith.constant 27 : index
    %swap3A_197 = arith.constant 0 : index
    %swap3A_198 = arith.constant 0 : index
    %swap3A_199 = vector.load %arg2[%swap3A_196, %swap3A_197, %swap3A_198] : memref<32x32x2048xf32, #tpu.memory_space<vmem>>, vector<1x32x2048xf32>
    %swap3A_200 = vector.shape_cast %swap3A_199 : vector<1x32x2048xf32> to vector<32x2048xf32>
    %swap3A_201 = vector.shape_cast %slice3A_195 : vector<32x2048xf32> to vector<1x32x2048xf32>
    tpu.vector_store %arg2[%swap3A_196, %swap3A_197, %swap3A_198], %swap3A_201 {strides = array<i32>} : memref<32x32x2048xf32, #tpu.memory_space<vmem>>, vector<1x32x2048xf32>,
    %slice3A_202 = vector.extract_strided_slice %roll3A {offsets = [0, 3], sizes = [32, 2048], strides = [1, 1]} : vector<32x4096xf32> to vector<32x2048xf32>
    %swap3A_203 = arith.constant 28 : index
    %swap3A_204 = arith.constant 0 : index
    %swap3A_205 = arith.constant 0 : index
    %swap3A_206 = vector.load %arg2[%swap3A_203, %swap3A_204, %swap3A_205] : memref<32x32x2048xf32, #tpu.memory_space<vmem>>, vector<1x32x2048xf32>
    %swap3A_207 = vector.shape_cast %swap3A_206 : vector<1x32x2048xf32> to vector<32x2048xf32>
    %swap3A_208 = vector.shape_cast %slice3A_202 : vector<32x2048xf32> to vector<1x32x2048xf32>
    tpu.vector_store %arg2[%swap3A_203, %swap3A_204, %swap3A_205], %swap3A_208 {strides = array<i32>} : memref<32x32x2048xf32, #tpu.memory_space<vmem>>, vector<1x32x2048xf32>,
    %slice3A_209 = vector.extract_strided_slice %roll3A {offsets = [0, 2], sizes = [32, 2048], strides = [1, 1]} : vector<32x4096xf32> to vector<32x2048xf32>
    %swap3A_210 = arith.constant 29 : index
    %swap3A_211 = arith.constant 0 : index
    %swap3A_212 = arith.constant 0 : index
    %swap3A_213 = vector.load %arg2[%swap3A_210, %swap3A_211, %swap3A_212] : memref<32x32x2048xf32, #tpu.memory_space<vmem>>, vector<1x32x2048xf32>
    %swap3A_214 = vector.shape_cast %swap3A_213 : vector<1x32x2048xf32> to vector<32x2048xf32>
    %swap3A_215 = vector.shape_cast %slice3A_209 : vector<32x2048xf32> to vector<1x32x2048xf32>
    tpu.vector_store %arg2[%swap3A_210, %swap3A_211, %swap3A_212], %swap3A_215 {strides = array<i32>} : memref<32x32x2048xf32, #tpu.memory_space<vmem>>, vector<1x32x2048xf32>,
    %slice3A_216 = vector.extract_strided_slice %roll3A {offsets = [0, 1], sizes = [32, 2048], strides = [1, 1]} : vector<32x4096xf32> to vector<32x2048xf32>
    %swap3A_217 = arith.constant 30 : index
    %swap3A_218 = arith.constant 0 : index
    %swap3A_219 = arith.constant 0 : index
    %swap3A_220 = vector.load %arg2[%swap3A_217, %swap3A_218, %swap3A_219] : memref<32x32x2048xf32, #tpu.memory_space<vmem>>, vector<1x32x2048xf32>
    %swap3A_221 = vector.shape_cast %swap3A_220 : vector<1x32x2048xf32> to vector<32x2048xf32>
    %swap3A_222 = vector.shape_cast %slice3A_216 : vector<32x2048xf32> to vector<1x32x2048xf32>
    tpu.vector_store %arg2[%swap3A_217, %swap3A_218, %swap3A_219], %swap3A_222 {strides = array<i32>} : memref<32x32x2048xf32, #tpu.memory_space<vmem>>, vector<1x32x2048xf32>,
    %slice3A_223 = vector.extract_strided_slice %roll3A {offsets = [0, 0], sizes = [32, 2048], strides = [1, 1]} : vector<32x4096xf32> to vector<32x2048xf32>
    %swap3A_224 = arith.constant 31 : index
    %swap3A_225 = arith.constant 0 : index
    %swap3A_226 = arith.constant 0 : index
    %swap3A_227 = vector.load %arg2[%swap3A_224, %swap3A_225, %swap3A_226] : memref<32x32x2048xf32, #tpu.memory_space<vmem>>, vector<1x32x2048xf32>
    %swap3A_228 = vector.shape_cast %swap3A_227 : vector<1x32x2048xf32> to vector<32x2048xf32>
    %swap3A_229 = vector.shape_cast %slice3A_223 : vector<32x2048xf32> to vector<1x32x2048xf32>
    tpu.vector_store %arg2[%swap3A_224, %swap3A_225, %swap3A_226], %swap3A_229 {strides = array<i32>} : memref<32x32x2048xf32, #tpu.memory_space<vmem>>, vector<1x32x2048xf32>,
    return
  }
  func.func @transform_0(%arg0: i32) -> (i32, i32) {
    %c0_i32 = arith.constant 0 : i32
    %c0_i32_0 = arith.constant 0 : i32
    %c0_i32_1 = arith.constant 0 : i32
    return %c0_i32, %c0_i32_0 : i32, i32
  }
  func.func @transform_1(%arg0: i32) -> (i32, i32, i32) {
    %c0_i32 = arith.constant 0 : i32
    %c0_i32_0 = arith.constant 0 : i32
    %c0_i32_1 = arith.constant 0 : i32
    return %arg0, %c0_i32, %c0_i32_0 : i32, i32, i32
  }
}

</mosaic_0001>

<sc_bundles>
// kernel: kernel.4.cloned.1.call-start
scs
__scs_entry_jumppad:
0x0: {  	(pc) =	sbr.rel $0x88, $3  }
0x1: {  	(tag) =	ssettag $0x0;
	lr =	simm.s32 $0x1  }
0x2: {  	[smem:$0x3FA0] =	sst lr;
	_ =	strace $0xD0000000  }
0x3: {  	_ = 	snop  }
0x4: {  	_ = 	snop  }
0x5: {  	_ = 	snop  }
0x6: {  	_ = 	snop  }
0x7: {  	_ = 	snop  }
__scs_overlays_trampoline_lowered:
0x8: {  	[smem:$0x3FAF] =	sst s0  }
0x9: {  	[smem:$0x3FB0] =	sst s1  }
0xa: {  	[smem:$0x3FB1] =	sst s2  }
0xb: {  	[smem:$0x3FB2] =	sst s3  }
0xc: {  	[smem:$0x3FB3] =	sst s4  }
0xd: {  	[smem:$0x3FB4] =	sst s5  }
0xe: {  	[smem:$0x3FB5] =	sst s6  }
0xf: {  	[smem:$0x3FB6] =	sst s7  }
0x10: {  	[smem:$0x3FB7] =	sst s8  }
0x11: {  	[smem:$0x3FB8] =	sst s9;
	s0 =	simm.s32 @!p0 $0x0  }
0x12: {  	s1 =	sld [smem:$0x3F9E];
	s0 =	simm.s32 @p0 $0x1  }
0x13: {  	[smem:$0x3FB9] =	sst s0;
	s0 =	simm.s32 @!p1 $0x0  }
0x14: {  	s2 =	sld [smem:$0x3F9D];
	s0 =	simm.s32 @p1 $0x1  }
0x15: {  	[smem:$0x3FBA] =	sst s0;
	s0 =	simm.s32 @!p2 $0x0  }
0x16: {  	s3 =	sld [smem:$0x3FDB];
	s0 =	simm.s32 @p2 $0x1  }
0x17: {  	s4 =	simm.s32 $0x1BF5;
	[smem:$0x3FBC] =	sst s0  }
0x18: {  	s0 =	sld [smem:$0x3F9F];
	_ =	swait.ge [sflag:s4], $0x0  }
0x19: {  	s7 =	sld [smem:$0x3FA0]  }
0x1a: {  	s8 =	sadd.s32 $0xFFFFE003, lr  }
0x1b: {  	s9 =	sadd.s32 $0xFFFFFEF7, lr;
	s5 =	simm.s32 $0xFFFFFFFF;
	p2 =	slt.u32 s8, $0xFFFFF086  }
0x1c: {  	p1 =	slt.u32 s9, $0xF7A;
	s5 =	simm.s32 @!p2 $0x0  }
0x1d: {  	s5 =	simm.s32 @p1 $0x1;
	p0 =	seq.s32 s7, s2  }
0x1e: {  	s7 =	smul.u32 @!p0 $0xF7A, s2;
	p2 =	seq.s32 @!p0 s5, $0x0  }
0x1f: {  	s9 =	smul.u32 $0xF7A, s1;
	s8 =	simm.s32 @!p0 $0x1BF5;
	p2 =	por !p2, p0  }
0x20: {  	[sflag:s8] =	ssyncset.s32 @!p0 $0xFFFFF086;
	s6 =	sadd.s32 @!p0 s3, s7;
	s7 =	simm.s32 @!p0 $0x108  }
0x21: {  	s3 =	sadd.s32 s3, s9;
	s6 =	sadd.s32 @!p0 $0x88, s6;
	s7 =	simm.s32 @p2 $0x1082  }
0x22: {  	[simem:s7], [sflag:s8] =	dma.local @!p0 [hbm:s6], $0xF7A  }
0x23: {  	s9 =	sor.u32 $0xD0000000, s2;
	s6 =	simm.s32 $0x108;
	_ =	swait.ge @!p0 [sflag:s8], $0x0  }
0x24: {  	s3 =	sadd.s32 $0x88, s3;
	s6 =	simm.s32 @!p1 $0x1082;
	[sflag:s4] =	ssyncset.s32 $0xFFFFF086  }
0x25: {  	[simem:s6], [sflag:s4] =	dma.local [hbm:s3], $0xF7A  }
0x26: {  	[smem:$0x3FA0] =	sst s1;
	(tag) =	ssettag s2;
	_ =	strace s9  }
0x27: {  	s1 =	sld [smem:$0x3FB0]  }
0x28: {  	s2 =	sld [smem:$0x3FB1]  }
0x29: {  	s4 =	sld [smem:$0x3FB3]  }
0x2a: {  	p0 =	seq.s32 s5, $0x0;
	s5 =	sld [smem:$0x3FB4]  }
0x2b: {  	s6 =	sld [smem:$0x3FB5]  }
0x2c: {  	s7 =	sld [smem:$0x3FB6]  }
0x2d: {  	s3 =	simm.s32 $0x108;
	s8 =	sld [smem:$0x3FB7]  }
0x2e: {  	s3 =	simm.s32 @!p0 $0x1082;
	s9 =	sld [smem:$0x3FB8]  }
0x2f: {  	lr =	sadd.s32 s0, s3;
	s0 =	sld [smem:$0x3FAF]  }
0x30: {  	s3 =	sld [smem:$0x3FB2]  }
0x31: {  	[smem:$0x3FBB] =	sst s10  }
0x32: {  	s10 =	sld [smem:$0x3FB9];
	_ =	sdelay $0x3  }
0x33: {  	p0 =	seq.s32 s10, $0x1;
	s10 =	sld [smem:$0x3FBB];
	_ =	sdelay $0x3  }
0x34: {  	[smem:$0x3FBB] =	sst s10  }
0x35: {  	s10 =	sld [smem:$0x3FBA];
	_ =	sdelay $0x3  }
0x36: {  	p1 =	seq.s32 s10, $0x1;
	s10 =	sld [smem:$0x3FBB];
	_ =	sdelay $0x3  }
0x37: {  	[smem:$0x3FBB] =	sst s10  }
0x38: {  	s10 =	sld [smem:$0x3FBC]  }
0x39: {  	_ = 	snop;
	(pc) =	sbr.ind lr, $3  }
0x3a: {  	_ = 	snop  }
0x3b: {  	_ = 	snop  }
0x3c: {  	p2 =	seq.s32 s10, $0x1;
	s10 =	sld [smem:$0x3FBB]  }
0x3d: {  	_ =	shalt  }
0x3e: {  	_ =	shalt  }
0x3f: {  	_ =	shalt  }
0x40: {  	_ =	shalt  }
0x41: {  	_ =	shalt  }
0x42: {  	_ =	shalt  }
0x43: {  	_ =	shalt  }
0x44: {  	_ =	shalt  }
0x45: {  	_ =	shalt  }
0x46: {  	_ =	shalt  }
0x47: {  	_ =	shalt  }
0x48: {  	_ =	shalt  }
0x49: {  	_ =	shalt  }
0x4a: {  	_ =	shalt  }
0x4b: {  	_ =	shalt  }
0x4c: {  	_ =	shalt  }
0x4d: {  	_ =	shalt  }
0x4e: {  	_ =	shalt  }
0x4f: {  	_ =	shalt  }
0x50: {  	_ =	shalt  }
0x51: {  	_ =	shalt  }
0x52: {  	_ =	shalt  }
0x53: {  	_ =	shalt  }
0x54: {  	_ =	shalt  }
0x55: {  	_ =	shalt  }
0x56: {  	_ =	shalt  }
0x57: {  	_ =	shalt  }
0x58: {  	_ =	shalt  }
0x59: {  	_ =	shalt  }
0x5a: {  	_ =	shalt  }
0x5b: {  	_ =	shalt  }
0x5c: {  	_ =	shalt  }
0x5d: {  	_ =	shalt  }
0x5e: {  	_ =	shalt  }
0x5f: {  	_ =	shalt  }
0x60: {  	_ =	shalt  }
0x61: {  	_ =	shalt  }
0x62: {  	_ =	shalt  }
0x63: {  	_ =	shalt  }
0x64: {  	_ =	shalt  }
0x65: {  	_ =	shalt  }
0x66: {  	_ =	shalt  }
0x67: {  	_ =	shalt  }
0x68: {  	_ =	shalt  }
0x69: {  	_ =	shalt  }
0x6a: {  	_ =	shalt  }
0x6b: {  	_ =	shalt  }
0x6c: {  	_ =	shalt  }
0x6d: {  	_ =	shalt  }
0x6e: {  	_ =	shalt  }
0x6f: {  	_ =	shalt  }
0x70: {  	_ =	shalt  }
0x71: {  	_ =	shalt  }
0x72: {  	_ =	shalt  }
0x73: {  	_ =	shalt  }
0x74: {  	_ =	shalt  }
0x75: {  	_ =	shalt  }
0x76: {  	_ =	shalt  }
0x77: {  	_ =	shalt  }
0x78: {  	_ =	shalt  }
0x79: {  	_ =	shalt  }
0x7a: {  	_ =	shalt  }
0x7b: {  	_ =	shalt  }
0x7c: {  	_ =	shalt  }
0x7d: {  	_ =	shalt  }
0x7e: {  	_ =	shalt  }
0x7f: {  	_ =	shalt  }
0x80: {  	_ =	shalt  }
0x81: {  	_ =	shalt  }
0x82: {  	_ =	shalt  }
0x83: {  	_ =	shalt  }
0x84: {  	_ =	shalt  }
0x85: {  	_ =	shalt  }
0x86: {  	_ =	shalt  }
0x87: {  	_ =	shalt  }
.Lfunc_end0:
.L_simem_size_0:
called_computation_lowered:
.L_overlay_start_0:
0x88: {  	s2 =	sld [smem:$0x3FD9]  }
0x89: {  	s3 =	sld [smem:$0x3FFE];
	_ =	sdelay $0x1  }
0x8a: {  	s1 =	srdreg.scid  }
0x8b: {  	s0 =	sand.u32 $0x1, s1  }
0x8c: {  	s17 =	sshll.u32 s0, $0xA;
	s2 =	sadd.s32 s3, s2  }
0x8d: {  	s2 =	sadd.s32 s2, s17  }
0x8e: {  	[smem:$0x3FC7] =	sst s2  }
0x8f: {  	_ = 	snop  }
0x90: {  	s2 =	sld [smem:$0x3FD0];
	(tm) =	ssettm $0x1  }
0x91: {  	s18 =	sld [smem:$0x3FFB];
	_ =	sdelay $0x3  }
0x92: {  	_ =	strace s18  }
0x93: {  	s3 =	sld [smem:$0x3FFC];
	_ =	sdelay $0x3  }
0x94: {  	_ =	strace s3  }
0x95: {  	s3 =	sld [smem:$0x3FFD];
	_ =	sdelay $0x3  }
0x96: {  	_ =	strace s3  }
0x97: {  	_ =	strace $0x8FFFFFFF  }
0x98: {  	s19 =	sld [smem:$0x3FDB];
	_ =	sdelay $0x1  }
0x99: {  	s4 =	simm.s32 $_scs_section_size  }
0x9a: {  	s5 =	simm.s32 $_size__tile_overlayer_lowered;
	s6 =	simm.s32 $_tile_overlayer_lowered  }
0x9b: {  	s22 =	simm.s32 $0x1BFF;
	s21 =	sshll.u32 s6, $0x1;
	s3 =	sadd.s32 s4, s19  }
0x9c: {  	s7 =	simm.s32 $0x0;
	s20 =	sshll.u32 s5, $0x1;
	s5 =	sadd.s32 s21, s3  }
0x9d: {  	[timem:s7], [sflag:s22] =	dma.local [hbm:s5], s20  }
0x9e: {  	_ =	swait.ge [sflag:s22], s20  }
0x9f: {  	s4 =	ssub.s32 $0x0, s20;
	[sflag:s22] =	ssyncset.done $0x0  }
0xa0: {  	[sflag:s22] =	ssyncadd.s32 s4;
	_ =	sdelay $0x1  }
0xa1: {  	s23 =	simm.s32 $0x1B8B  }
0xa2: {  	_ =	swait.ge [sflag:s23], $0x1  }
0xa3: {  	[sflag:s23] =	ssyncset.done $0x0  }
0xa4: {  	s25 =	simm.s32 $0x1B8E;
	s24 =	sld [smem:$0x3FFE];
	[sflag:s23] =	ssyncadd.s32 $0xFFFFFFFF  }
0xa5: {  	s26 =	simm.s32 $execute0_lowered;
	[smem:$0x3FD2] =	sst s25  }
0xa6: {  	s5 =	sshll.u32 s26, $0x1;
	_ =	strace $0x80000046;
	[dreg:$0x1] =	wrdreg $0xFFFFFFFF  }
0xa7: {  	s28 =	simm.s32 $_size_execute0_lowered;
	s3 =	sadd.s32 s3, s5;
	[dreg:$0x0] =	wrdreg $0x0  }
0xa8: {  	s5 =	sshll.u32 s28, $0x1;
	[dreg:$0x2] =	wrdreg s3  }
0xa9: {  	[dreg:$0x3] =	wrdreg s5  }
0xaa: {  	[dreg:$0x4] =	wrdreg $0xC0  }
0xab: {  	_ =	task [dreg:s7], $0x5FFFF  }
0xac: {  	[dreg:$0x1] =	wrdreg $0xFFFFFFFF  }
0xad: {  	[dreg:$0x0] =	wrdreg $0x60  }
0xae: {  	[dreg:$0x2] =	wrdreg s24  }
0xaf: {  	[dreg:$0x3] =	wrdreg s2  }
0xb0: {  	[dreg:$0x4] =	wrdreg $0x9  }
0xb1: {  	_ =	task.clear_ibuf [dreg:s7], $0x5FFFF;
	_ =	strace $0x90000046  }
0xb2: {  	s29 =	simm.s32 $0x9;
	_ =	strace $0x80000048  }
0xb3: {  	_ =	swait.ge [sflag:s29], $0x1  }
0xb4: {  	[sflag:s29] =	ssyncadd.s32 $0xFFFFFFFF  }
0xb5: {  	_ =	strace $0x90000048  }
0xb6: {  	_ =	sfence  }
0xb7: {  	s30 =	sld [smem:$0x0];
	_ =	sdelay $0x2  }
0xb8: {  	s31 =	sshll.u32 s1, $0xD;
	s1 =	sshrl.u32 s1, $0x2  }
0xb9: {  	s3 =	sand.u32 $0x4000, s31;
	s1 =	sadd.s32 s1, s30  }
0xba: {  	s0 =	sor.u32 s3, s0;
	s1 =	sshll.u32 s1, $0x11  }
0xbb: {  	s0 =	sor.u32 s1, s0  }
0xbc: {  	s0 =	sadd.s32 $0x8F2B, s0  }
0xbd: {  	[sflag:s0] =	ssyncadd.remote.s32 $0x1  }
0xbe: {  	_ =	sfence.sel $0xFFFF  }
0xbf: {  	[dreg:$0x0] =	wrdreg $0xFFFFFFFF;
	(pc) =	sbr.abs _section_cstart, $3  }
0xc0: {  	[dreg:$0x1] =	wrdreg $0xFFFFFFFF  }
0xc1: {  	_ =	task.clear_ibuf [dreg:s7], $0x2FFFF;
	_ =	strace $0x9FFFFFFF  }
0xc2: {  	(tm) =	ssettm $0x7FFFFFFF  }
0xc3: {  	_ =	shalt  }
tec
execute0_lowered:
.L_overlay_start_1:
0x0: {  	(tag) =	ssettag $0x1  }
0x1: {  	s3 =	rddreg [dreg:$0x0]  }
0x2: {  	s0 =	srdreg.scid;
	s4 =	rddreg [dreg:$0x1];
	s2 =	simm.s32 $0x0  }
0x3: {  	s1 =	stileid.u32;
	s5 =	sand.u32 $0x1, s0;
	s0 =	rddreg [dreg:$0x2]  }
0x4: {  	[smem:$0x7FF] =	sst s2;
	s30 =	sshll.u32 s1, $0xA;
	s9 =	sshll.u32 s1, $0x8  }
0x5: {  	s3 =	sadd.s32 $0x400, s3;
	s6 =	ssub.s32 $0x2, s5;
	_ =	strace $0x80000047  }
0x6: {  	s8 =	sshll.u32 s5, $0x9;
	s5 =	sshll.u32 s5, $0x7;
	s7 =	sshrl.u32 s6, $0x1  }
0x7: {  	s31 =	sor.u32 s9, s5;
	s6 =	ssub.s32 s6, s7;
	s7 =	sor.u32 s8, s30  }
0x8: {  	s9 =	simm.s32 $0x0;
	s8 =	simm.s32 $0x4000;
	s4 =	sadd.s32 s4, s7  }
0x9: {  	s5 =	smax.u32 s6, $0x1;
	s6 =	ssub.s32 $0x8FE, s31;
	s7 =	simm.s32 $0x1  }
.LBB2_1:
0xa: {  	[tilespmem:s2], [sflag:$0x1] =	stream.linear.gather [hbm4b:s3+s2], $0x4000, $0x38;
	[tilespmem:$0x5000] =	vst v63  }
0xb: {  	p0 =	sgt.s32 s6, $0x0;
	s10 =	smov.u32 s6  }
0xc: {  	_ =	swait.ge [sflag:s7], $0x4000;
	s10 =	simm.s32 @!p0 $0x0  }
0xd: {  	[sflag:s7] =	ssyncset.done $0x0;
	s10 =	smin.u32 s10, $0x1FE  }
0xe: {  	[sflag:s7] =	ssyncadd.s32 $0xFFFFC000;
	s13 =	sshll.u32 s10, $0x5  }
0xf: {  	v0 =	vld [tilespmem:s13+$0x0];
	_ =	sdelay $0x3  }
0x10: {  	s12 =	simm.s32 $0x0  }
0x11: {  	[tilespmem:s12+$0x4000] =	vst v0  }
0x12: {  	s11 =	sadd.s32 $0xFFFFFFFF, s6;
	v0 =	vld [tilespmem:s13+$0x10]  }
0x13: {  	p1 =	sgt.s32 s11, $0x0;
	s10 =	simm.s32 $0x80;
	s13 =	simm.s32 $0x100  }
.LBB2_2:
0x14: {  	s14 =	smov.u32 s11  }
0x15: {  	p0 =	sne.s32 s13, $0x3F80;
	s14 =	simm.s32 @!p1 $0x0  }
0x16: {  	s14 =	smin.u32 s14, $0x1FE  }
0x17: {  	s14 =	sshll.u32 s14, $0x5;
	[tilespmem:s12+$0x4010] =	vst v0  }
0x18: {  	v0 =	vld [tilespmem:s14+$0x0];
	_ =	sdelay $0x3  }
.Ltmp0:
0x19: {  	s12 =	sshra.s32 s10, $0x2;
	s10 =	smov.u32 s13;
	(pc) =	sbr.rel @p0 .LBB2_2-.Ltmp0, $4  }
0x1a: {  	[tilespmem:s12+$0x4000] =	vst v0  }
0x1b: {  	v0 =	vld [tilespmem:s14+$0x10]  }
0x1c: {  	s11 =	sadd.s32 $0xFFFFFFFF, s11  }
0x1d: {  	p1 =	sgt.s32 s11, $0x0;
	s13 =	sadd.s32 $0x80, s13  }
0x1e: {  	s11 =	simm.s32 @!p1 $0x0  }
0x1f: {  	s11 =	smin.u32 s11, $0x1FE  }
0x20: {  	s11 =	sshll.u32 s11, $0x5;
	[tilespmem:s12+$0x4010] =	vst v0  }
0x21: {  	v0 =	vld [tilespmem:s11+$0x0];
	_ =	sdelay $0x3  }
0x22: {  	s10 =	sshra.s32 s10, $0x2  }
0x23: {  	[tilespmem:s10+$0x4000] =	vst v0  }
0x24: {  	v0 =	vld [tilespmem:s11+$0x10];
	_ =	sdelay $0x2  }
0x25: {  	s9 =	sadd.s32 $0x1, s9  }
0x26: {  	p0 =	sne.s32 s9, s5  }
.Ltmp1:
0x27: {  	[tilespmem:s10+$0x4010] =	vst v0;
	(pc) =	sbr.rel @p0 .LBB2_1-.Ltmp1, $4  }
0x28: {  	[hbm4b:s4+s2] =	stream.linear.scatter [tilespmem:s8], [sflag:$0x1], $0x1000, $0x38;
	[tilespmem:$0x5000] =	vst v63  }
0x29: {  	_ =	swait.ge [sflag:s7], $0x1000  }
0x2a: {  	[sflag:s7] =	ssyncset.done $0x0  }
0x2b: {  	[sflag:s7] =	ssyncadd.s32 $0xFFFFF000  }
0x2c: {  	_ =	sfence.sel $0x180000  }
0x2d: {  	[bflag:$0x0] =	sbarrier.arrive $0xFFFF  }
0x2e: {  	p0 =	sne.s32 s1, $0x0;
	_ =	strace $0x90000047  }
0x2f: {  	s0 =	sadd.s32 @!p0 $0x100000, s0;
	[bflag:$0x2] =	sbarrier.arrive $0xFFFF  }
0x30: {  	[sflag:s0] =	ssyncadd.tile.s32 @!p0 $0x1;
	_ =	shalt  }
.Lfunc_end2:
_tile_overlayer_lowered:
.L_overlay_start_2:
0x31: {  	(tag) =	ssettag $0x2  }
0x32: {  	s0 =	rddreg [dreg:$0x0];
	s2 =	stileid.u32  }
0x33: {  	s1 =	rddreg [dreg:$0x1];
	p0 =	sne.s32 s2, $0x0  }
0x34: {  	s3 =	rddreg [dreg:$0x2];
	[bflag:$0x3] =	sbarrier.arrive $0xFFFF;
	s2 =	simm.s32 @!p0 $0x1C01  }
0x35: {  	[timem:s3], [sflag:s2] =	dma.local @!p0 [hbm:s0], s1  }
0x36: {  	s0 =	simm.s32 @!p0 $0x1  }
0x37: {  	_ =	swait.ge @!p0 [sflag:s0], s1  }
0x38: {  	s1 =	ssub.s32 @!p0 $0x0, s1;
	[sflag:s0] =	ssyncset.done @!p0 $0x0  }
0x39: {  	[sflag:s0] =	ssyncadd.s32 @!p0 s1  }
0x3a: {  	[bflag:$0x3] =	sbarrier.arrive $0xFFFF  }
0x3b: {  	_ =	shalt  }

</sc_bundles>
